<compile_context>
chip_gen: v7x
topology: tpu7x:2x2x1
jax: 0.10.2.dev20260603
libtpu: 0.0.44.dev20260713+nightly
codegen_flags: <defaults>
</compile_context>

<pallas_src>
import functools

import jax
import jax.numpy as jnp
from jax import lax
from jax.experimental import pallas as pl
from jax.experimental.pallas import tpu as pltpu
from jax.experimental.pallas import tpu_sc as plsc

NUM_CLASSES = 1000000
EMBED_DIM = 32
BATCH = 16384
FIELDS = 26

_B = BATCH * FIELDS
_NC = 2
_NS = 16
_NW = _NC * _NS
_PER_W = _B // _NW
_CHUNK = 416
_NCHUNK = _PER_W // _CHUNK
_NBUF = 4
assert _PER_W * _NW == _B and _NCHUNK * _CHUNK == _PER_W
assert _NCHUNK % _NBUF == 0 and _CHUNK % 8 == 0


def _gather_body(idx_hbm, table_hbm, out_hbm, idx_v, *bufs):
    rows = bufs[:_NBUF]
    gsem = bufs[_NBUF:2 * _NBUF]
    ssem = bufs[2 * _NBUF:]

    wid = lax.axis_index("s") * _NC + lax.axis_index("c")
    base = wid * _PER_W
    pltpu.sync_copy(idx_hbm.at[pl.ds(base, _PER_W)], idx_v)

    def g_start(i, b):
        pltpu.make_async_copy(
            table_hbm.at[idx_v.at[pl.ds(i * _CHUNK, _CHUNK)]], rows[b], gsem[b]
        ).start()

    def g_wait(b):
        pltpu.make_async_copy(
            table_hbm.at[idx_v.at[pl.ds(0, _CHUNK)]], rows[b], gsem[b]
        ).wait()

    def s_start(i, b):
        pltpu.make_async_copy(
            rows[b], out_hbm.at[pl.ds(base + i * _CHUNK, _CHUNK)], ssem[b]
        ).start()

    def s_wait(b):
        pltpu.make_async_copy(
            rows[b], out_hbm.at[pl.ds(base, _CHUNK)], ssem[b]
        ).wait()

    for b in range(_NBUF):
        g_start(b, b)

    def body(gi, _):
        i0 = gi * _NBUF
        for b in range(_NBUF):
            i = i0 + b
            g_wait(b)
            s_start(i, b)
            s_wait(b)
            g_start(i + _NBUF, b)
        return 0

    lax.fori_loop(0, _NCHUNK // _NBUF - 1, body, 0)

    for b in range(_NBUF):
        g_wait(b)
        s_start(_NCHUNK - _NBUF + b, b)
        s_wait(b)


@jax.jit
def _embed_lookup(idx_flat, table):
    mesh = plsc.VectorSubcoreMesh(core_axis_name="c", subcore_axis_name="s")
    grab = pl.kernel(
        _gather_body,
        out_type=jax.ShapeDtypeStruct((_B, EMBED_DIM), jnp.float32),
        mesh=mesh,
        scratch_types=(
            [pltpu.VMEM((_PER_W,), jnp.int32)]
            + [pltpu.VMEM((_CHUNK, EMBED_DIM), jnp.float32)] * _NBUF
            + [pltpu.SemaphoreType.DMA] * (2 * _NBUF)
        ),
        compiler_params=pltpu.CompilerParams(use_tc_tiling_on_sc=False),
    )
    return grab(idx_flat, table)


def kernel(severity_ids, table):
    idx_flat = severity_ids.reshape(_B).astype(jnp.int32)
    out = _embed_lookup(idx_flat, table)
    return out.reshape(BATCH, FIELDS, EMBED_DIM)

# --- scband reference (transcript-rebuilt; emitter-appended) ---
"""Pipeline reference for scband-severity-embedding-wrapper-46480136077877 (READ-ONLY COPY).

The authoritative reference and input builder live on the scoring server;
editing this copy changes nothing except your own understanding.
"""

import jax, jax.numpy as jnp
import numpy as np

NUM_CLASSES = 1000000
EMBED_DIM = 32
BATCH = 16384
FIELDS = 26


def setup_inputs(seed: int = 0) -> dict:
    key = jax.random.key(seed)
    k_idx, k_tab = jax.random.split(key)
    severity_ids = jax.random.randint(k_idx, (BATCH, FIELDS), 0, NUM_CLASSES, dtype=jnp.int64 if jax.config.jax_enable_x64 else jnp.int32)
    # embedding table initialized like nn.init.normal_(std=0.02)
    table = jax.random.normal(k_tab, (NUM_CLASSES, EMBED_DIM), dtype=jnp.float32) * 0.02
    return {"severity_ids": severity_ids, "table": table}


def reference(severity_ids, table):
    # nn.Embedding forward: row gather from the table
    return jnp.take(table, severity_ids, axis=0)

if __name__ == "__main__":
    import jax
    _d = setup_inputs()
    print(jax.jit(kernel)(*tuple(_d.values())))

</pallas_src>

<mosaic_0001>
#map = affine_map<(d0, d1) -> (0)>
#map1 = affine_map<(d0, d1) -> (0, 0)>
module attributes {stable_mosaic.version = 14 : i64} {
  func.func @_gather_body(%arg0: i32, %arg1: i32, %arg2: memref<425984xi32, #tpu.memory_space<hbm>>, %arg3: memref<1000000x32xf32, #tpu.memory_space<hbm>>, %arg4: memref<425984x32xf32, #tpu.memory_space<hbm>>, %arg5: memref<13312xi32, #tpu.memory_space<vmem>>, %arg6: memref<416x32xf32, #tpu.memory_space<vmem>>, %arg7: memref<416x32xf32, #tpu.memory_space<vmem>>, %arg8: memref<416x32xf32, #tpu.memory_space<vmem>>, %arg9: memref<416x32xf32, #tpu.memory_space<vmem>>, %arg10: memref<!tpu.dma_semaphore, #tpu.memory_space<semaphore_mem>>, %arg11: memref<!tpu.dma_semaphore, #tpu.memory_space<semaphore_mem>>, %arg12: memref<!tpu.dma_semaphore, #tpu.memory_space<semaphore_mem>>, %arg13: memref<!tpu.dma_semaphore, #tpu.memory_space<semaphore_mem>>, %arg14: memref<!tpu.dma_semaphore, #tpu.memory_space<semaphore_mem>>, %arg15: memref<!tpu.dma_semaphore, #tpu.memory_space<semaphore_mem>>, %arg16: memref<!tpu.dma_semaphore, #tpu.memory_space<semaphore_mem>>, %arg17: memref<!tpu.dma_semaphore, #tpu.memory_space<semaphore_mem>>) attributes {dimension_semantics = [#tpu.dimension_semantics<core_parallel>, #tpu.dimension_semantics<subcore_parallel>], iteration_bounds = array<i64: 2, 16>, scalar_prefetch = 0 : i64, scratch_operands = 13 : i64, tpu.core_type = #tpu.core_type<sc_vector_subcore>, window_params = [{transform_indices = #map}, {transform_indices = #map1}, {transform_indices = #map1}]} {
    %mul3A = arith.constant 2 : i32
    %mul3A_0 = arith.muli %arg1, %mul3A : i32
    %add3A = arith.addi %mul3A_0, %arg0 : i32
    %mul3A_1 = arith.constant 13312 : i32
    %mul3A_2 = arith.muli %add3A, %mul3A_1 : i32
    "tpu.region"() ({
      %run_scoped3A = tpu.sem_alloc : memref<!tpu.dma_semaphore, #tpu.memory_space<semaphore_mem>>
      %dma_start3A_87 = tpu.memref_slice %arg2[%mul3A_2] : memref<425984xi32, #tpu.memory_space<hbm>> -> memref<13312xi32, #tpu.memory_space<hbm>>
      %dma_start3A_88 = tpu.memref_slice %arg2[%mul3A_2] : memref<425984xi32, #tpu.memory_space<hbm>> -> memref<13312xi32, #tpu.memory_space<hbm>>
      tpu.enqueue_dma source(%dma_start3A_88 : memref<13312xi32, #tpu.memory_space<hbm>>) target(%arg5 : memref<13312xi32, #tpu.memory_space<vmem>>) target_semaphore(%run_scoped3A : memref<!tpu.dma_semaphore, #tpu.memory_space<semaphore_mem>>)
      %dma_wait3A_89 = tpu.memref_slice %arg2[%mul3A_2] : memref<425984xi32, #tpu.memory_space<hbm>> -> memref<13312xi32, #tpu.memory_space<hbm>>
      %dma_wait3A_90 = tpu.memref_slice %arg2[%mul3A_2] : memref<425984xi32, #tpu.memory_space<hbm>> -> memref<13312xi32, #tpu.memory_space<hbm>>
      tpu.wait_dma2 semaphore(%run_scoped3A : memref<!tpu.dma_semaphore, #tpu.memory_space<semaphore_mem>>) src(%dma_wait3A_90 : memref<13312xi32, #tpu.memory_space<hbm>>) dst(%arg5 : memref<13312xi32, #tpu.memory_space<vmem>>)
      tpu.yield
    }) : () -> ()
    %dma_start3A = arith.constant 0 : i32
    %dma_start3A_3 = tpu.memref_slice %arg5[%dma_start3A] : memref<13312xi32, #tpu.memory_space<vmem>> -> memref<416xi32, #tpu.memory_space<vmem>>
    %dma_start3A_4 = arith.constant 0 : i32
    %dma_start3A_5 = arith.constant 0 : i32
    %dma_start3A_6 = tpu.memref_slice %arg3[%dma_start3A_4, %dma_start3A_5] : memref<1000000x32xf32, #tpu.memory_space<hbm>> -> memref<1000000x32xf32, #tpu.memory_space<hbm>>
    tpu.enqueue_indirect_dma source(%dma_start3A_6 : memref<1000000x32xf32, #tpu.memory_space<hbm>>) target(%arg6 : memref<416x32xf32, #tpu.memory_space<vmem>>) offsets(%dma_start3A_3 : memref<416xi32, #tpu.memory_space<vmem>>) semaphore(%arg10 : memref<!tpu.dma_semaphore, #tpu.memory_space<semaphore_mem>>)
    %dma_start3A_7 = arith.constant 416 : i32
    %dma_start3A_8 = tpu.memref_slice %arg5[%dma_start3A_7] : memref<13312xi32, #tpu.memory_space<vmem>> -> memref<416xi32, #tpu.memory_space<vmem>>
    %dma_start3A_9 = arith.constant 0 : i32
    %dma_start3A_10 = arith.constant 0 : i32
    %dma_start3A_11 = tpu.memref_slice %arg3[%dma_start3A_9, %dma_start3A_10] : memref<1000000x32xf32, #tpu.memory_space<hbm>> -> memref<1000000x32xf32, #tpu.memory_space<hbm>>
    tpu.enqueue_indirect_dma source(%dma_start3A_11 : memref<1000000x32xf32, #tpu.memory_space<hbm>>) target(%arg7 : memref<416x32xf32, #tpu.memory_space<vmem>>) offsets(%dma_start3A_8 : memref<416xi32, #tpu.memory_space<vmem>>) semaphore(%arg11 : memref<!tpu.dma_semaphore, #tpu.memory_space<semaphore_mem>>)
    %dma_start3A_12 = arith.constant 832 : i32
    %dma_start3A_13 = tpu.memref_slice %arg5[%dma_start3A_12] : memref<13312xi32, #tpu.memory_space<vmem>> -> memref<416xi32, #tpu.memory_space<vmem>>
    %dma_start3A_14 = arith.constant 0 : i32
    %dma_start3A_15 = arith.constant 0 : i32
    %dma_start3A_16 = tpu.memref_slice %arg3[%dma_start3A_14, %dma_start3A_15] : memref<1000000x32xf32, #tpu.memory_space<hbm>> -> memref<1000000x32xf32, #tpu.memory_space<hbm>>
    tpu.enqueue_indirect_dma source(%dma_start3A_16 : memref<1000000x32xf32, #tpu.memory_space<hbm>>) target(%arg8 : memref<416x32xf32, #tpu.memory_space<vmem>>) offsets(%dma_start3A_13 : memref<416xi32, #tpu.memory_space<vmem>>) semaphore(%arg12 : memref<!tpu.dma_semaphore, #tpu.memory_space<semaphore_mem>>)
    %dma_start3A_17 = arith.constant 1248 : i32
    %dma_start3A_18 = tpu.memref_slice %arg5[%dma_start3A_17] : memref<13312xi32, #tpu.memory_space<vmem>> -> memref<416xi32, #tpu.memory_space<vmem>>
    %dma_start3A_19 = arith.constant 0 : i32
    %dma_start3A_20 = arith.constant 0 : i32
    %dma_start3A_21 = tpu.memref_slice %arg3[%dma_start3A_19, %dma_start3A_20] : memref<1000000x32xf32, #tpu.memory_space<hbm>> -> memref<1000000x32xf32, #tpu.memory_space<hbm>>
    tpu.enqueue_indirect_dma source(%dma_start3A_21 : memref<1000000x32xf32, #tpu.memory_space<hbm>>) target(%arg9 : memref<416x32xf32, #tpu.memory_space<vmem>>) offsets(%dma_start3A_18 : memref<416xi32, #tpu.memory_space<vmem>>) semaphore(%arg13 : memref<!tpu.dma_semaphore, #tpu.memory_space<semaphore_mem>>)
    %scan3A = arith.constant 0 : i32
    %scan3A_22 = arith.constant 0 : i32
    %scan3A_23 = arith.constant 7 : i32
    %scan3A_24 = arith.addi %scan3A_22, %scan3A_23 : i32
    %scan3A_25 = arith.constant 1 : i32
    %scan3A_26 = scf.for %scan3A_87 = %scan3A_22 to %scan3A_24 step %scan3A_25 iter_args(%scan3A_88 = %scan3A) -> (i32)  : i32 {
      %mul3A_89 = arith.constant 4 : i32
      %mul3A_90 = arith.muli %scan3A_87, %mul3A_89 : i32
      %add3A_91 = arith.constant 0 : i32
      %add3A_92 = arith.addi %mul3A_90, %add3A_91 : i32
      %dma_wait3A_93 = arith.constant 0 : i32
      %dma_wait3A_94 = tpu.memref_slice %arg5[%dma_wait3A_93] : memref<13312xi32, #tpu.memory_space<vmem>> -> memref<416xi32, #tpu.memory_space<vmem>>
      %dma_wait3A_95 = arith.constant 0 : i32
      %dma_wait3A_96 = arith.constant 0 : i32
      %dma_wait3A_97 = tpu.memref_slice %arg3[%dma_wait3A_95, %dma_wait3A_96] : memref<1000000x32xf32, #tpu.memory_space<hbm>> -> memref<1000000x32xf32, #tpu.memory_space<hbm>>
      tpu.wait_indirect_dma semaphore(%arg10 : memref<!tpu.dma_semaphore, #tpu.memory_space<semaphore_mem>>) src(%dma_wait3A_97 : memref<1000000x32xf32, #tpu.memory_space<hbm>>) dst(%arg6 : memref<416x32xf32, #tpu.memory_space<vmem>>)
      %mul3A_98 = arith.constant 416 : i32
      %mul3A_99 = arith.muli %add3A_92, %mul3A_98 : i32
      %add3A_100 = arith.addi %mul3A_2, %mul3A_99 : i32
      %dma_start3A_101 = arith.constant 0 : i32
      %dma_start3A_102 = tpu.memref_slice %arg4[%add3A_100, %dma_start3A_101] : memref<425984x32xf32, #tpu.memory_space<hbm>> -> memref<416x32xf32, #tpu.memory_space<hbm>>
      %dma_start3A_103 = arith.constant 0 : i32
      %dma_start3A_104 = tpu.memref_slice %arg4[%add3A_100, %dma_start3A_103] : memref<425984x32xf32, #tpu.memory_space<hbm>> -> memref<416x32xf32, #tpu.memory_space<hbm>>
      tpu.enqueue_dma source(%arg6 : memref<416x32xf32, #tpu.memory_space<vmem>>) target(%dma_start3A_104 : memref<416x32xf32, #tpu.memory_space<hbm>>) target_semaphore(%arg14 : memref<!tpu.dma_semaphore, #tpu.memory_space<semaphore_mem>>)
      %dma_wait3A_105 = arith.constant 0 : i32
      %dma_wait3A_106 = tpu.memref_slice %arg4[%mul3A_2, %dma_wait3A_105] : memref<425984x32xf32, #tpu.memory_space<hbm>> -> memref<416x32xf32, #tpu.memory_space<hbm>>
      %dma_wait3A_107 = arith.constant 0 : i32
      %dma_wait3A_108 = tpu.memref_slice %arg4[%mul3A_2, %dma_wait3A_107] : memref<425984x32xf32, #tpu.memory_space<hbm>> -> memref<416x32xf32, #tpu.memory_space<hbm>>
      tpu.wait_dma2 semaphore(%arg14 : memref<!tpu.dma_semaphore, #tpu.memory_space<semaphore_mem>>) src(%arg6 : memref<416x32xf32, #tpu.memory_space<vmem>>) dst(%dma_wait3A_108 : memref<416x32xf32, #tpu.memory_space<hbm>>)
      %add3A_109 = arith.constant 4 : i32
      %add3A_110 = arith.addi %add3A_92, %add3A_109 : i32
      %mul3A_111 = arith.constant 416 : i32
      %mul3A_112 = arith.muli %add3A_110, %mul3A_111 : i32
      %dma_start3A_113 = tpu.memref_slice %arg5[%mul3A_112] : memref<13312xi32, #tpu.memory_space<vmem>> -> memref<416xi32, #tpu.memory_space<vmem>>
      %dma_start3A_114 = arith.constant 0 : i32
      %dma_start3A_115 = arith.constant 0 : i32
      %dma_start3A_116 = tpu.memref_slice %arg3[%dma_start3A_114, %dma_start3A_115] : memref<1000000x32xf32, #tpu.memory_space<hbm>> -> memref<1000000x32xf32, #tpu.memory_space<hbm>>
      tpu.enqueue_indirect_dma source(%dma_start3A_116 : memref<1000000x32xf32, #tpu.memory_space<hbm>>) target(%arg6 : memref<416x32xf32, #tpu.memory_space<vmem>>) offsets(%dma_start3A_113 : memref<416xi32, #tpu.memory_space<vmem>>) semaphore(%arg10 : memref<!tpu.dma_semaphore, #tpu.memory_space<semaphore_mem>>)
      %add3A_117 = arith.constant 1 : i32
      %add3A_118 = arith.addi %mul3A_90, %add3A_117 : i32
      %dma_wait3A_119 = arith.constant 0 : i32
      %dma_wait3A_120 = tpu.memref_slice %arg5[%dma_wait3A_119] : memref<13312xi32, #tpu.memory_space<vmem>> -> memref<416xi32, #tpu.memory_space<vmem>>
      %dma_wait3A_121 = arith.constant 0 : i32
      %dma_wait3A_122 = arith.constant 0 : i32
      %dma_wait3A_123 = tpu.memref_slice %arg3[%dma_wait3A_121, %dma_wait3A_122] : memref<1000000x32xf32, #tpu.memory_space<hbm>> -> memref<1000000x32xf32, #tpu.memory_space<hbm>>
      tpu.wait_indirect_dma semaphore(%arg11 : memref<!tpu.dma_semaphore, #tpu.memory_space<semaphore_mem>>) src(%dma_wait3A_123 : memref<1000000x32xf32, #tpu.memory_space<hbm>>) dst(%arg7 : memref<416x32xf32, #tpu.memory_space<vmem>>)
      %mul3A_124 = arith.constant 416 : i32
      %mul3A_125 = arith.muli %add3A_118, %mul3A_124 : i32
      %add3A_126 = arith.addi %mul3A_2, %mul3A_125 : i32
      %dma_start3A_127 = arith.constant 0 : i32
      %dma_start3A_128 = tpu.memref_slice %arg4[%add3A_126, %dma_start3A_127] : memref<425984x32xf32, #tpu.memory_space<hbm>> -> memref<416x32xf32, #tpu.memory_space<hbm>>
      %dma_start3A_129 = arith.constant 0 : i32
      %dma_start3A_130 = tpu.memref_slice %arg4[%add3A_126, %dma_start3A_129] : memref<425984x32xf32, #tpu.memory_space<hbm>> -> memref<416x32xf32, #tpu.memory_space<hbm>>
      tpu.enqueue_dma source(%arg7 : memref<416x32xf32, #tpu.memory_space<vmem>>) target(%dma_start3A_130 : memref<416x32xf32, #tpu.memory_space<hbm>>) target_semaphore(%arg15 : memref<!tpu.dma_semaphore, #tpu.memory_space<semaphore_mem>>)
      %dma_wait3A_131 = arith.constant 0 : i32
      %dma_wait3A_132 = tpu.memref_slice %arg4[%mul3A_2, %dma_wait3A_131] : memref<425984x32xf32, #tpu.memory_space<hbm>> -> memref<416x32xf32, #tpu.memory_space<hbm>>
      %dma_wait3A_133 = arith.constant 0 : i32
      %dma_wait3A_134 = tpu.memref_slice %arg4[%mul3A_2, %dma_wait3A_133] : memref<425984x32xf32, #tpu.memory_space<hbm>> -> memref<416x32xf32, #tpu.memory_space<hbm>>
      tpu.wait_dma2 semaphore(%arg15 : memref<!tpu.dma_semaphore, #tpu.memory_space<semaphore_mem>>) src(%arg7 : memref<416x32xf32, #tpu.memory_space<vmem>>) dst(%dma_wait3A_134 : memref<416x32xf32, #tpu.memory_space<hbm>>)
      %add3A_135 = arith.constant 4 : i32
      %add3A_136 = arith.addi %add3A_118, %add3A_135 : i32
      %mul3A_137 = arith.constant 416 : i32
      %mul3A_138 = arith.muli %add3A_136, %mul3A_137 : i32
      %dma_start3A_139 = tpu.memref_slice %arg5[%mul3A_138] : memref<13312xi32, #tpu.memory_space<vmem>> -> memref<416xi32, #tpu.memory_space<vmem>>
      %dma_start3A_140 = arith.constant 0 : i32
      %dma_start3A_141 = arith.constant 0 : i32
      %dma_start3A_142 = tpu.memref_slice %arg3[%dma_start3A_140, %dma_start3A_141] : memref<1000000x32xf32, #tpu.memory_space<hbm>> -> memref<1000000x32xf32, #tpu.memory_space<hbm>>
      tpu.enqueue_indirect_dma source(%dma_start3A_142 : memref<1000000x32xf32, #tpu.memory_space<hbm>>) target(%arg7 : memref<416x32xf32, #tpu.memory_space<vmem>>) offsets(%dma_start3A_139 : memref<416xi32, #tpu.memory_space<vmem>>) semaphore(%arg11 : memref<!tpu.dma_semaphore, #tpu.memory_space<semaphore_mem>>)
      %add3A_143 = arith.constant 2 : i32
      %add3A_144 = arith.addi %mul3A_90, %add3A_143 : i32
      %dma_wait3A_145 = arith.constant 0 : i32
      %dma_wait3A_146 = tpu.memref_slice %arg5[%dma_wait3A_145] : memref<13312xi32, #tpu.memory_space<vmem>> -> memref<416xi32, #tpu.memory_space<vmem>>
      %dma_wait3A_147 = arith.constant 0 : i32
      %dma_wait3A_148 = arith.constant 0 : i32
      %dma_wait3A_149 = tpu.memref_slice %arg3[%dma_wait3A_147, %dma_wait3A_148] : memref<1000000x32xf32, #tpu.memory_space<hbm>> -> memref<1000000x32xf32, #tpu.memory_space<hbm>>
      tpu.wait_indirect_dma semaphore(%arg12 : memref<!tpu.dma_semaphore, #tpu.memory_space<semaphore_mem>>) src(%dma_wait3A_149 : memref<1000000x32xf32, #tpu.memory_space<hbm>>) dst(%arg8 : memref<416x32xf32, #tpu.memory_space<vmem>>)
      %mul3A_150 = arith.constant 416 : i32
      %mul3A_151 = arith.muli %add3A_144, %mul3A_150 : i32
      %add3A_152 = arith.addi %mul3A_2, %mul3A_151 : i32
      %dma_start3A_153 = arith.constant 0 : i32
      %dma_start3A_154 = tpu.memref_slice %arg4[%add3A_152, %dma_start3A_153] : memref<425984x32xf32, #tpu.memory_space<hbm>> -> memref<416x32xf32, #tpu.memory_space<hbm>>
      %dma_start3A_155 = arith.constant 0 : i32
      %dma_start3A_156 = tpu.memref_slice %arg4[%add3A_152, %dma_start3A_155] : memref<425984x32xf32, #tpu.memory_space<hbm>> -> memref<416x32xf32, #tpu.memory_space<hbm>>
      tpu.enqueue_dma source(%arg8 : memref<416x32xf32, #tpu.memory_space<vmem>>) target(%dma_start3A_156 : memref<416x32xf32, #tpu.memory_space<hbm>>) target_semaphore(%arg16 : memref<!tpu.dma_semaphore, #tpu.memory_space<semaphore_mem>>)
      %dma_wait3A_157 = arith.constant 0 : i32
      %dma_wait3A_158 = tpu.memref_slice %arg4[%mul3A_2, %dma_wait3A_157] : memref<425984x32xf32, #tpu.memory_space<hbm>> -> memref<416x32xf32, #tpu.memory_space<hbm>>
      %dma_wait3A_159 = arith.constant 0 : i32
      %dma_wait3A_160 = tpu.memref_slice %arg4[%mul3A_2, %dma_wait3A_159] : memref<425984x32xf32, #tpu.memory_space<hbm>> -> memref<416x32xf32, #tpu.memory_space<hbm>>
      tpu.wait_dma2 semaphore(%arg16 : memref<!tpu.dma_semaphore, #tpu.memory_space<semaphore_mem>>) src(%arg8 : memref<416x32xf32, #tpu.memory_space<vmem>>) dst(%dma_wait3A_160 : memref<416x32xf32, #tpu.memory_space<hbm>>)
      %add3A_161 = arith.constant 4 : i32
      %add3A_162 = arith.addi %add3A_144, %add3A_161 : i32
      %mul3A_163 = arith.constant 416 : i32
      %mul3A_164 = arith.muli %add3A_162, %mul3A_163 : i32
      %dma_start3A_165 = tpu.memref_slice %arg5[%mul3A_164] : memref<13312xi32, #tpu.memory_space<vmem>> -> memref<416xi32, #tpu.memory_space<vmem>>
      %dma_start3A_166 = arith.constant 0 : i32
      %dma_start3A_167 = arith.constant 0 : i32
      %dma_start3A_168 = tpu.memref_slice %arg3[%dma_start3A_166, %dma_start3A_167] : memref<1000000x32xf32, #tpu.memory_space<hbm>> -> memref<1000000x32xf32, #tpu.memory_space<hbm>>
      tpu.enqueue_indirect_dma source(%dma_start3A_168 : memref<1000000x32xf32, #tpu.memory_space<hbm>>) target(%arg8 : memref<416x32xf32, #tpu.memory_space<vmem>>) offsets(%dma_start3A_165 : memref<416xi32, #tpu.memory_space<vmem>>) semaphore(%arg12 : memref<!tpu.dma_semaphore, #tpu.memory_space<semaphore_mem>>)
      %add3A_169 = arith.constant 3 : i32
      %add3A_170 = arith.addi %mul3A_90, %add3A_169 : i32
      %dma_wait3A_171 = arith.constant 0 : i32
      %dma_wait3A_172 = tpu.memref_slice %arg5[%dma_wait3A_171] : memref<13312xi32, #tpu.memory_space<vmem>> -> memref<416xi32, #tpu.memory_space<vmem>>
      %dma_wait3A_173 = arith.constant 0 : i32
      %dma_wait3A_174 = arith.constant 0 : i32
      %dma_wait3A_175 = tpu.memref_slice %arg3[%dma_wait3A_173, %dma_wait3A_174] : memref<1000000x32xf32, #tpu.memory_space<hbm>> -> memref<1000000x32xf32, #tpu.memory_space<hbm>>
      tpu.wait_indirect_dma semaphore(%arg13 : memref<!tpu.dma_semaphore, #tpu.memory_space<semaphore_mem>>) src(%dma_wait3A_175 : memref<1000000x32xf32, #tpu.memory_space<hbm>>) dst(%arg9 : memref<416x32xf32, #tpu.memory_space<vmem>>)
      %mul3A_176 = arith.constant 416 : i32
      %mul3A_177 = arith.muli %add3A_170, %mul3A_176 : i32
      %add3A_178 = arith.addi %mul3A_2, %mul3A_177 : i32
      %dma_start3A_179 = arith.constant 0 : i32
      %dma_start3A_180 = tpu.memref_slice %arg4[%add3A_178, %dma_start3A_179] : memref<425984x32xf32, #tpu.memory_space<hbm>> -> memref<416x32xf32, #tpu.memory_space<hbm>>
      %dma_start3A_181 = arith.constant 0 : i32
      %dma_start3A_182 = tpu.memref_slice %arg4[%add3A_178, %dma_start3A_181] : memref<425984x32xf32, #tpu.memory_space<hbm>> -> memref<416x32xf32, #tpu.memory_space<hbm>>
      tpu.enqueue_dma source(%arg9 : memref<416x32xf32, #tpu.memory_space<vmem>>) target(%dma_start3A_182 : memref<416x32xf32, #tpu.memory_space<hbm>>) target_semaphore(%arg17 : memref<!tpu.dma_semaphore, #tpu.memory_space<semaphore_mem>>)
      %dma_wait3A_183 = arith.constant 0 : i32
      %dma_wait3A_184 = tpu.memref_slice %arg4[%mul3A_2, %dma_wait3A_183] : memref<425984x32xf32, #tpu.memory_space<hbm>> -> memref<416x32xf32, #tpu.memory_space<hbm>>
      %dma_wait3A_185 = arith.constant 0 : i32
      %dma_wait3A_186 = tpu.memref_slice %arg4[%mul3A_2, %dma_wait3A_185] : memref<425984x32xf32, #tpu.memory_space<hbm>> -> memref<416x32xf32, #tpu.memory_space<hbm>>
      tpu.wait_dma2 semaphore(%arg17 : memref<!tpu.dma_semaphore, #tpu.memory_space<semaphore_mem>>) src(%arg9 : memref<416x32xf32, #tpu.memory_space<vmem>>) dst(%dma_wait3A_186 : memref<416x32xf32, #tpu.memory_space<hbm>>)
      %add3A_187 = arith.constant 4 : i32
      %add3A_188 = arith.addi %add3A_170, %add3A_187 : i32
      %mul3A_189 = arith.constant 416 : i32
      %mul3A_190 = arith.muli %add3A_188, %mul3A_189 : i32
      %dma_start3A_191 = tpu.memref_slice %arg5[%mul3A_190] : memref<13312xi32, #tpu.memory_space<vmem>> -> memref<416xi32, #tpu.memory_space<vmem>>
      %dma_start3A_192 = arith.constant 0 : i32
      %dma_start3A_193 = arith.constant 0 : i32
      %dma_start3A_194 = tpu.memref_slice %arg3[%dma_start3A_192, %dma_start3A_193] : memref<1000000x32xf32, #tpu.memory_space<hbm>> -> memref<1000000x32xf32, #tpu.memory_space<hbm>>
      tpu.enqueue_indirect_dma source(%dma_start3A_194 : memref<1000000x32xf32, #tpu.memory_space<hbm>>) target(%arg9 : memref<416x32xf32, #tpu.memory_space<vmem>>) offsets(%dma_start3A_191 : memref<416xi32, #tpu.memory_space<vmem>>) semaphore(%arg13 : memref<!tpu.dma_semaphore, #tpu.memory_space<semaphore_mem>>)
      %scan3A_195 = arith.constant 0 : i32
      scf.yield %scan3A_195 : i32
    }
    %scan3A_27 = arith.constant 7 : i32
    %dma_wait3A = arith.constant 0 : i32
    %dma_wait3A_28 = tpu.memref_slice %arg5[%dma_wait3A] : memref<13312xi32, #tpu.memory_space<vmem>> -> memref<416xi32, #tpu.memory_space<vmem>>
    %dma_wait3A_29 = arith.constant 0 : i32
    %dma_wait3A_30 = arith.constant 0 : i32
    %dma_wait3A_31 = tpu.memref_slice %arg3[%dma_wait3A_29, %dma_wait3A_30] : memref<1000000x32xf32, #tpu.memory_space<hbm>> -> memref<1000000x32xf32, #tpu.memory_space<hbm>>
    tpu.wait_indirect_dma semaphore(%arg10 : memref<!tpu.dma_semaphore, #tpu.memory_space<semaphore_mem>>) src(%dma_wait3A_31 : memref<1000000x32xf32, #tpu.memory_space<hbm>>) dst(%arg6 : memref<416x32xf32, #tpu.memory_space<vmem>>)
    %add3A_32 = arith.constant 11648 : i32
    %add3A_33 = arith.addi %mul3A_2, %add3A_32 : i32
    %dma_start3A_34 = arith.constant 0 : i32
    %dma_start3A_35 = tpu.memref_slice %arg4[%add3A_33, %dma_start3A_34] : memref<425984x32xf32, #tpu.memory_space<hbm>> -> memref<416x32xf32, #tpu.memory_space<hbm>>
    %dma_start3A_36 = arith.constant 0 : i32
    %dma_start3A_37 = tpu.memref_slice %arg4[%add3A_33, %dma_start3A_36] : memref<425984x32xf32, #tpu.memory_space<hbm>> -> memref<416x32xf32, #tpu.memory_space<hbm>>
    tpu.enqueue_dma source(%arg6 : memref<416x32xf32, #tpu.memory_space<vmem>>) target(%dma_start3A_37 : memref<416x32xf32, #tpu.memory_space<hbm>>) target_semaphore(%arg14 : memref<!tpu.dma_semaphore, #tpu.memory_space<semaphore_mem>>)
    %dma_wait3A_38 = arith.constant 0 : i32
    %dma_wait3A_39 = tpu.memref_slice %arg4[%mul3A_2, %dma_wait3A_38] : memref<425984x32xf32, #tpu.memory_space<hbm>> -> memref<416x32xf32, #tpu.memory_space<hbm>>
    %dma_wait3A_40 = arith.constant 0 : i32
    %dma_wait3A_41 = tpu.memref_slice %arg4[%mul3A_2, %dma_wait3A_40] : memref<425984x32xf32, #tpu.memory_space<hbm>> -> memref<416x32xf32, #tpu.memory_space<hbm>>
    tpu.wait_dma2 semaphore(%arg14 : memref<!tpu.dma_semaphore, #tpu.memory_space<semaphore_mem>>) src(%arg6 : memref<416x32xf32, #tpu.memory_space<vmem>>) dst(%dma_wait3A_41 : memref<416x32xf32, #tpu.memory_space<hbm>>)
    %dma_wait3A_42 = arith.constant 0 : i32
    %dma_wait3A_43 = tpu.memref_slice %arg5[%dma_wait3A_42] : memref<13312xi32, #tpu.memory_space<vmem>> -> memref<416xi32, #tpu.memory_space<vmem>>
    %dma_wait3A_44 = arith.constant 0 : i32
    %dma_wait3A_45 = arith.constant 0 : i32
    %dma_wait3A_46 = tpu.memref_slice %arg3[%dma_wait3A_44, %dma_wait3A_45] : memref<1000000x32xf32, #tpu.memory_space<hbm>> -> memref<1000000x32xf32, #tpu.memory_space<hbm>>
    tpu.wait_indirect_dma semaphore(%arg11 : memref<!tpu.dma_semaphore, #tpu.memory_space<semaphore_mem>>) src(%dma_wait3A_46 : memref<1000000x32xf32, #tpu.memory_space<hbm>>) dst(%arg7 : memref<416x32xf32, #tpu.memory_space<vmem>>)
    %add3A_47 = arith.constant 12064 : i32
    %add3A_48 = arith.addi %mul3A_2, %add3A_47 : i32
    %dma_start3A_49 = arith.constant 0 : i32
    %dma_start3A_50 = tpu.memref_slice %arg4[%add3A_48, %dma_start3A_49] : memref<425984x32xf32, #tpu.memory_space<hbm>> -> memref<416x32xf32, #tpu.memory_space<hbm>>
    %dma_start3A_51 = arith.constant 0 : i32
    %dma_start3A_52 = tpu.memref_slice %arg4[%add3A_48, %dma_start3A_51] : memref<425984x32xf32, #tpu.memory_space<hbm>> -> memref<416x32xf32, #tpu.memory_space<hbm>>
    tpu.enqueue_dma source(%arg7 : memref<416x32xf32, #tpu.memory_space<vmem>>) target(%dma_start3A_52 : memref<416x32xf32, #tpu.memory_space<hbm>>) target_semaphore(%arg15 : memref<!tpu.dma_semaphore, #tpu.memory_space<semaphore_mem>>)
    %dma_wait3A_53 = arith.constant 0 : i32
    %dma_wait3A_54 = tpu.memref_slice %arg4[%mul3A_2, %dma_wait3A_53] : memref<425984x32xf32, #tpu.memory_space<hbm>> -> memref<416x32xf32, #tpu.memory_space<hbm>>
    %dma_wait3A_55 = arith.constant 0 : i32
    %dma_wait3A_56 = tpu.memref_slice %arg4[%mul3A_2, %dma_wait3A_55] : memref<425984x32xf32, #tpu.memory_space<hbm>> -> memref<416x32xf32, #tpu.memory_space<hbm>>
    tpu.wait_dma2 semaphore(%arg15 : memref<!tpu.dma_semaphore, #tpu.memory_space<semaphore_mem>>) src(%arg7 : memref<416x32xf32, #tpu.memory_space<vmem>>) dst(%dma_wait3A_56 : memref<416x32xf32, #tpu.memory_space<hbm>>)
    %dma_wait3A_57 = arith.constant 0 : i32
    %dma_wait3A_58 = tpu.memref_slice %arg5[%dma_wait3A_57] : memref<13312xi32, #tpu.memory_space<vmem>> -> memref<416xi32, #tpu.memory_space<vmem>>
    %dma_wait3A_59 = arith.constant 0 : i32
    %dma_wait3A_60 = arith.constant 0 : i32
    %dma_wait3A_61 = tpu.memref_slice %arg3[%dma_wait3A_59, %dma_wait3A_60] : memref<1000000x32xf32, #tpu.memory_space<hbm>> -> memref<1000000x32xf32, #tpu.memory_space<hbm>>
    tpu.wait_indirect_dma semaphore(%arg12 : memref<!tpu.dma_semaphore, #tpu.memory_space<semaphore_mem>>) src(%dma_wait3A_61 : memref<1000000x32xf32, #tpu.memory_space<hbm>>) dst(%arg8 : memref<416x32xf32, #tpu.memory_space<vmem>>)
    %add3A_62 = arith.constant 12480 : i32
    %add3A_63 = arith.addi %mul3A_2, %add3A_62 : i32
    %dma_start3A_64 = arith.constant 0 : i32
    %dma_start3A_65 = tpu.memref_slice %arg4[%add3A_63, %dma_start3A_64] : memref<425984x32xf32, #tpu.memory_space<hbm>> -> memref<416x32xf32, #tpu.memory_space<hbm>>
    %dma_start3A_66 = arith.constant 0 : i32
    %dma_start3A_67 = tpu.memref_slice %arg4[%add3A_63, %dma_start3A_66] : memref<425984x32xf32, #tpu.memory_space<hbm>> -> memref<416x32xf32, #tpu.memory_space<hbm>>
    tpu.enqueue_dma source(%arg8 : memref<416x32xf32, #tpu.memory_space<vmem>>) target(%dma_start3A_67 : memref<416x32xf32, #tpu.memory_space<hbm>>) target_semaphore(%arg16 : memref<!tpu.dma_semaphore, #tpu.memory_space<semaphore_mem>>)
    %dma_wait3A_68 = arith.constant 0 : i32
    %dma_wait3A_69 = tpu.memref_slice %arg4[%mul3A_2, %dma_wait3A_68] : memref<425984x32xf32, #tpu.memory_space<hbm>> -> memref<416x32xf32, #tpu.memory_space<hbm>>
    %dma_wait3A_70 = arith.constant 0 : i32
    %dma_wait3A_71 = tpu.memref_slice %arg4[%mul3A_2, %dma_wait3A_70] : memref<425984x32xf32, #tpu.memory_space<hbm>> -> memref<416x32xf32, #tpu.memory_space<hbm>>
    tpu.wait_dma2 semaphore(%arg16 : memref<!tpu.dma_semaphore, #tpu.memory_space<semaphore_mem>>) src(%arg8 : memref<416x32xf32, #tpu.memory_space<vmem>>) dst(%dma_wait3A_71 : memref<416x32xf32, #tpu.memory_space<hbm>>)
    %dma_wait3A_72 = arith.constant 0 : i32
    %dma_wait3A_73 = tpu.memref_slice %arg5[%dma_wait3A_72] : memref<13312xi32, #tpu.memory_space<vmem>> -> memref<416xi32, #tpu.memory_space<vmem>>
    %dma_wait3A_74 = arith.constant 0 : i32
    %dma_wait3A_75 = arith.constant 0 : i32
    %dma_wait3A_76 = tpu.memref_slice %arg3[%dma_wait3A_74, %dma_wait3A_75] : memref<1000000x32xf32, #tpu.memory_space<hbm>> -> memref<1000000x32xf32, #tpu.memory_space<hbm>>
    tpu.wait_indirect_dma semaphore(%arg13 : memref<!tpu.dma_semaphore, #tpu.memory_space<semaphore_mem>>) src(%dma_wait3A_76 : memref<1000000x32xf32, #tpu.memory_space<hbm>>) dst(%arg9 : memref<416x32xf32, #tpu.memory_space<vmem>>)
    %add3A_77 = arith.constant 12896 : i32
    %add3A_78 = arith.addi %mul3A_2, %add3A_77 : i32
    %dma_start3A_79 = arith.constant 0 : i32
    %dma_start3A_80 = tpu.memref_slice %arg4[%add3A_78, %dma_start3A_79] : memref<425984x32xf32, #tpu.memory_space<hbm>> -> memref<416x32xf32, #tpu.memory_space<hbm>>
    %dma_start3A_81 = arith.constant 0 : i32
    %dma_start3A_82 = tpu.memref_slice %arg4[%add3A_78, %dma_start3A_81] : memref<425984x32xf32, #tpu.memory_space<hbm>> -> memref<416x32xf32, #tpu.memory_space<hbm>>
    tpu.enqueue_dma source(%arg9 : memref<416x32xf32, #tpu.memory_space<vmem>>) target(%dma_start3A_82 : memref<416x32xf32, #tpu.memory_space<hbm>>) target_semaphore(%arg17 : memref<!tpu.dma_semaphore, #tpu.memory_space<semaphore_mem>>)
    %dma_wait3A_83 = arith.constant 0 : i32
    %dma_wait3A_84 = tpu.memref_slice %arg4[%mul3A_2, %dma_wait3A_83] : memref<425984x32xf32, #tpu.memory_space<hbm>> -> memref<416x32xf32, #tpu.memory_space<hbm>>
    %dma_wait3A_85 = arith.constant 0 : i32
    %dma_wait3A_86 = tpu.memref_slice %arg4[%mul3A_2, %dma_wait3A_85] : memref<425984x32xf32, #tpu.memory_space<hbm>> -> memref<416x32xf32, #tpu.memory_space<hbm>>
    tpu.wait_dma2 semaphore(%arg17 : memref<!tpu.dma_semaphore, #tpu.memory_space<semaphore_mem>>) src(%arg9 : memref<416x32xf32, #tpu.memory_space<vmem>>) dst(%dma_wait3A_86 : memref<416x32xf32, #tpu.memory_space<hbm>>)
    return
  }
}

</mosaic_0001>

<sc_bundles>
// kernel: _embed_lookup.3.cloned.1.call-start
scs
__scs_entry_jumppad:
0x0: {  	(pc) =	sbr.rel $0x88, $3  }
0x1: {  	(tag) =	ssettag $0x0;
	lr =	simm.s32 $0x1  }
0x2: {  	[smem:$0x3F9F] =	sst lr;
	_ =	strace $0xD0000000  }
0x3: {  	_ = 	snop  }
0x4: {  	_ = 	snop  }
0x5: {  	_ = 	snop  }
0x6: {  	_ = 	snop  }
0x7: {  	_ = 	snop  }
__scs_overlays_trampoline_lowered:
0x8: {  	[smem:$0x3FAE] =	sst s0  }
0x9: {  	[smem:$0x3FAF] =	sst s1  }
0xa: {  	[smem:$0x3FB0] =	sst s2  }
0xb: {  	[smem:$0x3FB1] =	sst s3  }
0xc: {  	[smem:$0x3FB2] =	sst s4  }
0xd: {  	[smem:$0x3FB3] =	sst s5  }
0xe: {  	[smem:$0x3FB4] =	sst s6  }
0xf: {  	[smem:$0x3FB5] =	sst s7  }
0x10: {  	[smem:$0x3FB6] =	sst s8  }
0x11: {  	[smem:$0x3FB7] =	sst s9;
	s0 =	simm.s32 @!p0 $0x0  }
0x12: {  	s1 =	sld [smem:$0x3F9D];
	s0 =	simm.s32 @p0 $0x1  }
0x13: {  	[smem:$0x3FB8] =	sst s0;
	s0 =	simm.s32 @!p1 $0x0  }
0x14: {  	s2 =	sld [smem:$0x3F9C];
	s0 =	simm.s32 @p1 $0x1  }
0x15: {  	[smem:$0x3FB9] =	sst s0;
	s0 =	simm.s32 @!p2 $0x0  }
0x16: {  	s3 =	sld [smem:$0x3FDB];
	s0 =	simm.s32 @p2 $0x1  }
0x17: {  	s4 =	simm.s32 $0x1BF5;
	[smem:$0x3FBB] =	sst s0  }
0x18: {  	s0 =	sld [smem:$0x3F9E];
	_ =	swait.ge [sflag:s4], $0x0  }
0x19: {  	s7 =	sld [smem:$0x3F9F]  }
0x1a: {  	s8 =	sadd.s32 $0xFFFFE003, lr  }
0x1b: {  	s9 =	sadd.s32 $0xFFFFFEF7, lr;
	s5 =	simm.s32 $0xFFFFFFFF;
	p2 =	slt.u32 s8, $0xFFFFF086  }
0x1c: {  	p1 =	slt.u32 s9, $0xF7A;
	s5 =	simm.s32 @!p2 $0x0  }
0x1d: {  	s5 =	simm.s32 @p1 $0x1;
	p0 =	seq.s32 s7, s2  }
0x1e: {  	s7 =	smul.u32 @!p0 $0xF7A, s2;
	p2 =	seq.s32 @!p0 s5, $0x0  }
0x1f: {  	s9 =	smul.u32 $0xF7A, s1;
	s8 =	simm.s32 @!p0 $0x1BF5;
	p2 =	por !p2, p0  }
0x20: {  	[sflag:s8] =	ssyncset.s32 @!p0 $0xFFFFF086;
	s6 =	sadd.s32 @!p0 s3, s7;
	s7 =	simm.s32 @!p0 $0x108  }
0x21: {  	s3 =	sadd.s32 s3, s9;
	s6 =	sadd.s32 @!p0 $0x88, s6;
	s7 =	simm.s32 @p2 $0x1082  }
0x22: {  	[simem:s7], [sflag:s8] =	dma.local @!p0 [hbm:s6], $0xF7A  }
0x23: {  	s9 =	sor.u32 $0xD0000000, s2;
	s6 =	simm.s32 $0x108;
	_ =	swait.ge @!p0 [sflag:s8], $0x0  }
0x24: {  	s3 =	sadd.s32 $0x88, s3;
	s6 =	simm.s32 @!p1 $0x1082;
	[sflag:s4] =	ssyncset.s32 $0xFFFFF086  }
0x25: {  	[simem:s6], [sflag:s4] =	dma.local [hbm:s3], $0xF7A  }
0x26: {  	[smem:$0x3F9F] =	sst s1;
	(tag) =	ssettag s2;
	_ =	strace s9  }
0x27: {  	s1 =	sld [smem:$0x3FAF]  }
0x28: {  	s2 =	sld [smem:$0x3FB0]  }
0x29: {  	s4 =	sld [smem:$0x3FB2]  }
0x2a: {  	p0 =	seq.s32 s5, $0x0;
	s5 =	sld [smem:$0x3FB3]  }
0x2b: {  	s6 =	sld [smem:$0x3FB4]  }
0x2c: {  	s7 =	sld [smem:$0x3FB5]  }
0x2d: {  	s3 =	simm.s32 $0x108;
	s8 =	sld [smem:$0x3FB6]  }
0x2e: {  	s3 =	simm.s32 @!p0 $0x1082;
	s9 =	sld [smem:$0x3FB7]  }
0x2f: {  	lr =	sadd.s32 s0, s3;
	s0 =	sld [smem:$0x3FAE]  }
0x30: {  	s3 =	sld [smem:$0x3FB1]  }
0x31: {  	[smem:$0x3FBA] =	sst s10  }
0x32: {  	s10 =	sld [smem:$0x3FB8];
	_ =	sdelay $0x3  }
0x33: {  	p0 =	seq.s32 s10, $0x1;
	s10 =	sld [smem:$0x3FBA];
	_ =	sdelay $0x3  }
0x34: {  	[smem:$0x3FBA] =	sst s10  }
0x35: {  	s10 =	sld [smem:$0x3FB9];
	_ =	sdelay $0x3  }
0x36: {  	p1 =	seq.s32 s10, $0x1;
	s10 =	sld [smem:$0x3FBA];
	_ =	sdelay $0x3  }
0x37: {  	[smem:$0x3FBA] =	sst s10  }
0x38: {  	s10 =	sld [smem:$0x3FBB]  }
0x39: {  	_ = 	snop;
	(pc) =	sbr.ind lr, $3  }
0x3a: {  	_ = 	snop  }
0x3b: {  	_ = 	snop  }
0x3c: {  	p2 =	seq.s32 s10, $0x1;
	s10 =	sld [smem:$0x3FBA]  }
0x3d: {  	_ =	shalt  }
0x3e: {  	_ =	shalt  }
0x3f: {  	_ =	shalt  }
0x40: {  	_ =	shalt  }
0x41: {  	_ =	shalt  }
0x42: {  	_ =	shalt  }
0x43: {  	_ =	shalt  }
0x44: {  	_ =	shalt  }
0x45: {  	_ =	shalt  }
0x46: {  	_ =	shalt  }
0x47: {  	_ =	shalt  }
0x48: {  	_ =	shalt  }
0x49: {  	_ =	shalt  }
0x4a: {  	_ =	shalt  }
0x4b: {  	_ =	shalt  }
0x4c: {  	_ =	shalt  }
0x4d: {  	_ =	shalt  }
0x4e: {  	_ =	shalt  }
0x4f: {  	_ =	shalt  }
0x50: {  	_ =	shalt  }
0x51: {  	_ =	shalt  }
0x52: {  	_ =	shalt  }
0x53: {  	_ =	shalt  }
0x54: {  	_ =	shalt  }
0x55: {  	_ =	shalt  }
0x56: {  	_ =	shalt  }
0x57: {  	_ =	shalt  }
0x58: {  	_ =	shalt  }
0x59: {  	_ =	shalt  }
0x5a: {  	_ =	shalt  }
0x5b: {  	_ =	shalt  }
0x5c: {  	_ =	shalt  }
0x5d: {  	_ =	shalt  }
0x5e: {  	_ =	shalt  }
0x5f: {  	_ =	shalt  }
0x60: {  	_ =	shalt  }
0x61: {  	_ =	shalt  }
0x62: {  	_ =	shalt  }
0x63: {  	_ =	shalt  }
0x64: {  	_ =	shalt  }
0x65: {  	_ =	shalt  }
0x66: {  	_ =	shalt  }
0x67: {  	_ =	shalt  }
0x68: {  	_ =	shalt  }
0x69: {  	_ =	shalt  }
0x6a: {  	_ =	shalt  }
0x6b: {  	_ =	shalt  }
0x6c: {  	_ =	shalt  }
0x6d: {  	_ =	shalt  }
0x6e: {  	_ =	shalt  }
0x6f: {  	_ =	shalt  }
0x70: {  	_ =	shalt  }
0x71: {  	_ =	shalt  }
0x72: {  	_ =	shalt  }
0x73: {  	_ =	shalt  }
0x74: {  	_ =	shalt  }
0x75: {  	_ =	shalt  }
0x76: {  	_ =	shalt  }
0x77: {  	_ =	shalt  }
0x78: {  	_ =	shalt  }
0x79: {  	_ =	shalt  }
0x7a: {  	_ =	shalt  }
0x7b: {  	_ =	shalt  }
0x7c: {  	_ =	shalt  }
0x7d: {  	_ =	shalt  }
0x7e: {  	_ =	shalt  }
0x7f: {  	_ =	shalt  }
0x80: {  	_ =	shalt  }
0x81: {  	_ =	shalt  }
0x82: {  	_ =	shalt  }
0x83: {  	_ =	shalt  }
0x84: {  	_ =	shalt  }
0x85: {  	_ =	shalt  }
0x86: {  	_ =	shalt  }
0x87: {  	_ =	shalt  }
.Lfunc_end0:
.L_simem_size_0:
called_computation.1_lowered:
.L_overlay_start_0:
0x88: {  	s2 =	sld [smem:$0x3FD9]  }
0x89: {  	s3 =	sld [smem:$0x3FFE];
	_ =	sdelay $0x1  }
0x8a: {  	s1 =	srdreg.scid  }
0x8b: {  	s0 =	sand.u32 $0x1, s1  }
0x8c: {  	s17 =	sshll.u32 s0, $0xA;
	s2 =	sadd.s32 s3, s2  }
0x8d: {  	s2 =	sadd.s32 s2, s17  }
0x8e: {  	[smem:$0x3FC6] =	sst s2  }
0x8f: {  	_ = 	snop  }
0x90: {  	s2 =	sld [smem:$0x3FC9]  }
0x91: {  	s18 =	sld [smem:$0x3FD0];
	(tm) =	ssettm $0x1  }
0x92: {  	s4 =	sld [smem:$0x3FFB];
	_ =	sdelay $0x3  }
0x93: {  	_ =	strace s4  }
0x94: {  	s4 =	sld [smem:$0x3FFC];
	_ =	sdelay $0x3  }
0x95: {  	_ =	strace s4  }
0x96: {  	s4 =	sld [smem:$0x3FFD];
	_ =	sdelay $0x3  }
0x97: {  	_ =	strace s4  }
0x98: {  	_ =	strace $0x8FFFFFFF  }
0x99: {  	s19 =	sld [smem:$0x3FDB];
	_ =	sdelay $0x1  }
0x9a: {  	s5 =	simm.s32 $_scs_section_size  }
0x9b: {  	s6 =	simm.s32 $_size__tile_overlayer_lowered;
	s7 =	simm.s32 $_tile_overlayer_lowered  }
0x9c: {  	s22 =	simm.s32 $0x1BFF;
	s21 =	sshll.u32 s7, $0x1;
	s4 =	sadd.s32 s5, s19  }
0x9d: {  	s8 =	simm.s32 $0x0;
	s20 =	sshll.u32 s6, $0x1;
	s6 =	sadd.s32 s21, s4  }
0x9e: {  	[timem:s8], [sflag:s22] =	dma.local [hbm:s6], s20  }
0x9f: {  	_ =	swait.ge [sflag:s22], s20  }
0xa0: {  	s5 =	ssub.s32 $0x0, s20;
	[sflag:s22] =	ssyncset.done $0x0  }
0xa1: {  	[sflag:s22] =	ssyncadd.s32 s5;
	_ =	sdelay $0x1  }
0xa2: {  	s23 =	simm.s32 $0x1B8B  }
0xa3: {  	_ =	swait.ge [sflag:s23], $0x1  }
0xa4: {  	[sflag:s23] =	ssyncset.done $0x0  }
0xa5: {  	s25 =	simm.s32 $0x1B8E;
	s24 =	sld [smem:$0x3FFE];
	[sflag:s23] =	ssyncadd.s32 $0xFFFFFFFF  }
0xa6: {  	s26 =	simm.s32 $execute0_lowered;
	[smem:$0x3FD2] =	sst s25  }
0xa7: {  	s6 =	sshll.u32 s26, $0x1;
	_ =	strace $0x80000046;
	[dreg:$0x1] =	wrdreg $0xFFFFFFFF  }
0xa8: {  	s28 =	simm.s32 $_size_execute0_lowered;
	s4 =	sadd.s32 s4, s6;
	[dreg:$0x0] =	wrdreg $0x0  }
0xa9: {  	s6 =	sshll.u32 s28, $0x1;
	[dreg:$0x2] =	wrdreg s4  }
0xaa: {  	[dreg:$0x3] =	wrdreg s6  }
0xab: {  	[dreg:$0x4] =	wrdreg $0xC0  }
0xac: {  	_ =	task [dreg:s8], $0x5FFFF  }
0xad: {  	[dreg:$0x1] =	wrdreg $0xFFFFFFFF  }
0xae: {  	[dreg:$0x0] =	wrdreg $0x60  }
0xaf: {  	[dreg:$0x2] =	wrdreg s2  }
0xb0: {  	[dreg:$0x3] =	wrdreg s24  }
0xb1: {  	[dreg:$0x4] =	wrdreg s18  }
0xb2: {  	[dreg:$0x5] =	wrdreg $0x9  }
0xb3: {  	_ =	task.clear_ibuf [dreg:s8], $0x6FFFF;
	_ =	strace $0x90000046  }
0xb4: {  	s29 =	simm.s32 $0x9;
	_ =	strace $0x80000048  }
0xb5: {  	_ =	swait.ge [sflag:s29], $0x1  }
0xb6: {  	[sflag:s29] =	ssyncadd.s32 $0xFFFFFFFF  }
0xb7: {  	_ =	strace $0x90000048  }
0xb8: {  	_ =	sfence  }
0xb9: {  	s30 =	sld [smem:$0x0];
	_ =	sdelay $0x2  }
0xba: {  	s31 =	sshll.u32 s1, $0xD;
	s1 =	sshrl.u32 s1, $0x2  }
0xbb: {  	s3 =	sand.u32 $0x4000, s31;
	s1 =	sadd.s32 s1, s30  }
0xbc: {  	s0 =	sor.u32 s3, s0;
	s1 =	sshll.u32 s1, $0x11  }
0xbd: {  	s0 =	sor.u32 s1, s0  }
0xbe: {  	s0 =	sadd.s32 $0x8F2B, s0  }
0xbf: {  	[sflag:s0] =	ssyncadd.remote.s32 $0x1  }
0xc0: {  	_ =	sfence.sel $0xFFFF  }
0xc1: {  	[dreg:$0x0] =	wrdreg $0xFFFFFFFF;
	(pc) =	sbr.abs _section_cstart, $3  }
0xc2: {  	[dreg:$0x1] =	wrdreg $0xFFFFFFFF  }
0xc3: {  	_ =	task.clear_ibuf [dreg:s8], $0x2FFFF;
	_ =	strace $0x9FFFFFFF  }
0xc4: {  	(tm) =	ssettm $0x7FFFFFFF  }
0xc5: {  	_ =	shalt  }
tec
execute0_lowered:
.L_overlay_start_1:
0x0: {  	(tag) =	ssettag $0x1  }
0x1: {  	s0 =	rddreg [dreg:$0x0]  }
0x2: {  	s1 =	rddreg [dreg:$0x1];
	s2 =	srdreg.scid  }
0x3: {  	s10 =	stileid.u32;
	s13 =	rddreg [dreg:$0x2]  }
0x4: {  	s15 =	simm.s32 $0x1A0;
	s16 =	simm.s32 $0x3400;
	s17 =	simm.s32 $0x6800  }
0x5: {  	s19 =	simm.s32 $0x9C00;
	s21 =	simm.s32 $0xD000;
	s22 =	simm.s32 $0x1  }
0x6: {  	s28 =	simm.s32 $0x7;
	s29 =	simm.s32 $0x4;
	s6 =	smul.u32 $0x6800, s10  }
0x7: {  	s30 =	simm.s32 $0x8;
	s11 =	sand.u32 $0x1, s2;
	s14 =	smul.u32 $0x1A000, s10  }
0x8: {  	s3 =	sshll.u32 s10, $0x1;
	s2 =	simm.s32 $0x0;
	s8 =	smul.u32 $0x3400, s11  }
0x9: {  	s3 =	sor.u32 s11, s3;
	[smem:$0x7FF] =	sst s2;
	s25 =	smul.u32 $0xD000, s11  }
0xa: {  	s31 =	simm.s32 $0x0;
	s4 =	smul.u32 $0x3400, s3;
	_ =	strace $0x80000047  }
0xb: {  	s23 =	ssub.s32 $0x2, s11;
	s5 =	smul.u32 $0x68000, s3;
	s3 =	sadd.s32 $0xF42C00, s1  }
0xc: {  	s7 =	sshrl.u32 s23, $0x1;
	s26 =	sadd.s32 s14, s13;
	s14 =	simm.s32 $0x9  }
0xd: {  	s1 =	ssub.s32 s23, s7;
	s24 =	sadd.s32 s8, s6;
	s5 =	sshrl.u32 s5, $0x3  }
0xe: {  	s23 =	simm.s32 $0x5;
	s4 =	sshrl.u32 s4, $0x3;
	s9 =	sadd.s32 s13, s5  }
0xf: {  	s4 =	sadd.s32 s0, s4;
	s0 =	sshll.u32 s24, $0x2;
	s24 =	simm.s32 $0x2  }
0x10: {  	s5 =	sadd.s32 $0xB600, s9;
	s6 =	sadd.s32 $0xBC80, s9;
	s7 =	sadd.s32 $0xC300, s9  }
0x11: {  	s8 =	sadd.s32 $0xC980, s9;
	s0 =	sadd.s32 s0, s13;
	s9 =	smax.u32 s1, $0x1  }
0x12: {  	s13 =	sadd.s32 s25, s26;
	s25 =	simm.s32 $0x6;
	s26 =	simm.s32 $0x3  }
0x13: {  	s10 =	sadd.s32 $0x1380, s0;
	s11 =	sadd.s32 $0xD00, s0;
	s12 =	sadd.s32 $0x680, s0  }
.LBB2_1:
0x14: {  	[tilespmem:s2], [sflag:$0x9] =	stream.linear.gather [hbm4b:s4+s2], $0x3400, $0x38;
	[tilespmem:$0x10400] =	vst v63  }
0x15: {  	_ =	swait.ge [sflag:s14], $0x3400  }
0x16: {  	[sflag:s14] =	ssyncset.done $0x0  }
0x17: {  	[sflag:s14] =	ssyncadd.s32 $0xFFFFCC00  }
0x18: {  	[tilespmem:s16], [sflag:$0x1] =	stream.indirect.gather [hbm4b:s3+s15], $0x20, s2, s15, $0xb8;
	[tilespmem:$0x10400] =	vst v63  }
0x19: {  	_ = 	snop  }
0x1a: {  	[tilespmem:s17], [sflag:$0x2] =	stream.indirect.gather [hbm4b:s3+s15], $0x20, s15, s15, $0xb8;
	[tilespmem:$0x10400] =	vst v63  }
0x1b: {  	s0 =	simm.s32 $0x340  }
0x1c: {  	[tilespmem:s19], [sflag:$0x3] =	stream.indirect.gather [hbm4b:s3+s15], $0x20, s0, s15, $0xb8;
	[tilespmem:$0x10400] =	vst v63  }
0x1d: {  	s18 =	simm.s32 $0x4E0  }
0x1e: {  	[tilespmem:s21], [sflag:$0x4] =	stream.indirect.gather [hbm4b:s3+s15], $0x20, s18, s15, $0xb8;
	[tilespmem:$0x10400] =	vst v63  }
0x1f: {  	_ =	swait.ge [sflag:s22], $0x3400  }
0x20: {  	[sflag:s22] =	ssyncset.done $0x0  }
0x21: {  	s20 =	sadd.s32 $0x0, s13;
	[sflag:s22] =	ssyncadd.s32 $0xFFFFCC00  }
0x22: {  	[hbm4b:s20+s2] =	stream.linear.scatter [tilespmem:s16], [sflag:$0x5], $0x3400, $0x38;
	[tilespmem:$0x10400] =	vst v63  }
0x23: {  	_ =	swait.ge [sflag:s23], $0x3400  }
0x24: {  	[sflag:s23] =	ssyncset.done $0x0  }
0x25: {  	s1 =	simm.s32 $0x680;
	[sflag:s23] =	ssyncadd.s32 $0xFFFFCC00  }
0x26: {  	[tilespmem:s16], [sflag:$0x1] =	stream.indirect.gather [hbm4b:s3+s15], $0x20, s1, s15, $0xb8;
	[tilespmem:$0x10400] =	vst v63  }
0x27: {  	_ =	swait.ge [sflag:s24], $0x3400  }
0x28: {  	[sflag:s24] =	ssyncset.done $0x0  }
0x29: {  	s18 =	sadd.s32 $0x0, s12;
	[sflag:s24] =	ssyncadd.s32 $0xFFFFCC00  }
0x2a: {  	[hbm4b:s18+s2] =	stream.linear.scatter [tilespmem:s17], [sflag:$0x6], $0x3400, $0x38;
	[tilespmem:$0x10400] =	vst v63  }
0x2b: {  	_ =	swait.ge [sflag:s25], $0x3400  }
0x2c: {  	[sflag:s25] =	ssyncset.done $0x0  }
0x2d: {  	s20 =	simm.s32 $0x820;
	[sflag:s25] =	ssyncadd.s32 $0xFFFFCC00  }
0x2e: {  	[tilespmem:s17], [sflag:$0x2] =	stream.indirect.gather [hbm4b:s3+s15], $0x20, s20, s15, $0xb8;
	[tilespmem:$0x10400] =	vst v63  }
0x2f: {  	_ =	swait.ge [sflag:s26], $0x3400  }
0x30: {  	[sflag:s26] =	ssyncset.done $0x0  }
0x31: {  	s1 =	sadd.s32 $0x0, s11;
	[sflag:s26] =	ssyncadd.s32 $0xFFFFCC00  }
0x32: {  	[hbm4b:s1+s2] =	stream.linear.scatter [tilespmem:s19], [sflag:$0x7], $0x3400, $0x38;
	[tilespmem:$0x10400] =	vst v63  }
0x33: {  	_ =	swait.ge [sflag:s28], $0x3400  }
0x34: {  	[sflag:s28] =	ssyncset.done $0x0  }
0x35: {  	s18 =	simm.s32 $0x9C0;
	[sflag:s28] =	ssyncadd.s32 $0xFFFFCC00  }
0x36: {  	[tilespmem:s19], [sflag:$0x3] =	stream.indirect.gather [hbm4b:s3+s15], $0x20, s18, s15, $0xb8;
	[tilespmem:$0x10400] =	vst v63  }
0x37: {  	_ =	swait.ge [sflag:s29], $0x3400  }
0x38: {  	[sflag:s29] =	ssyncset.done $0x0  }
0x39: {  	s20 =	sadd.s32 $0x0, s10;
	[sflag:s29] =	ssyncadd.s32 $0xFFFFCC00  }
0x3a: {  	[hbm4b:s20+s2] =	stream.linear.scatter [tilespmem:s21], [sflag:$0x8], $0x3400, $0x38;
	[tilespmem:$0x10400] =	vst v63  }
0x3b: {  	_ =	swait.ge [sflag:s30], $0x3400  }
0x3c: {  	[sflag:s30] =	ssyncset.done $0x0  }
0x3d: {  	s0 =	simm.s32 $0xB60;
	s1 =	simm.s32 $0x1A00;
	[sflag:s30] =	ssyncadd.s32 $0xFFFFCC00  }
.LBB2_2:
0x3e: {  	[tilespmem:s21], [sflag:$0x4] =	stream.indirect.gather [hbm4b:s3+s15], $0x20, s0, s15, $0xb8;
	[tilespmem:$0x10400] =	vst v63  }
0x3f: {  	s0 =	smov.u32 s1  }
0x40: {  	p0 =	sne.s32 s1, $0x9C00;
	s1 =	sadd.s32 $0x1A00, s1;
	_ =	swait.ge [sflag:s22], $0x3400  }
0x41: {  	[sflag:s22] =	ssyncset.done $0x0  }
0x42: {  	s18 =	sadd.s32 s0, s13;
	[sflag:s22] =	ssyncadd.s32 $0xFFFFCC00  }
0x43: {  	[hbm4b:s18+s2] =	stream.linear.scatter [tilespmem:s16], [sflag:$0x5], $0x3400, $0x38;
	[tilespmem:$0x10400] =	vst v63  }
0x44: {  	_ =	swait.ge [sflag:s23], $0x3400  }
0x45: {  	s18 =	sshra.s32 s0, $0x2;
	[sflag:s23] =	ssyncset.done $0x0  }
0x46: {  	s20 =	sadd.s32 $0x680, s18;
	[sflag:s23] =	ssyncadd.s32 $0xFFFFCC00  }
0x47: {  	[tilespmem:s16], [sflag:$0x1] =	stream.indirect.gather [hbm4b:s3+s15], $0x20, s20, s15, $0xb8;
	[tilespmem:$0x10400] =	vst v63  }
0x48: {  	_ =	swait.ge [sflag:s24], $0x3400  }
0x49: {  	[sflag:s24] =	ssyncset.done $0x0  }
0x4a: {  	s20 =	sadd.s32 s0, s12;
	[sflag:s24] =	ssyncadd.s32 $0xFFFFCC00  }
0x4b: {  	[hbm4b:s20+s2] =	stream.linear.scatter [tilespmem:s17], [sflag:$0x6], $0x3400, $0x38;
	[tilespmem:$0x10400] =	vst v63  }
0x4c: {  	_ =	swait.ge [sflag:s25], $0x3400  }
0x4d: {  	[sflag:s25] =	ssyncset.done $0x0  }
0x4e: {  	s20 =	sadd.s32 $0x820, s18;
	[sflag:s25] =	ssyncadd.s32 $0xFFFFCC00  }
0x4f: {  	[tilespmem:s17], [sflag:$0x2] =	stream.indirect.gather [hbm4b:s3+s15], $0x20, s20, s15, $0xb8;
	[tilespmem:$0x10400] =	vst v63  }
0x50: {  	_ =	swait.ge [sflag:s26], $0x3400  }
0x51: {  	[sflag:s26] =	ssyncset.done $0x0  }
0x52: {  	s20 =	sadd.s32 s0, s11;
	[sflag:s26] =	ssyncadd.s32 $0xFFFFCC00  }
0x53: {  	[hbm4b:s20+s2] =	stream.linear.scatter [tilespmem:s19], [sflag:$0x7], $0x3400, $0x38;
	[tilespmem:$0x10400] =	vst v63  }
0x54: {  	_ =	swait.ge [sflag:s28], $0x3400  }
0x55: {  	[sflag:s28] =	ssyncset.done $0x0  }
0x56: {  	s20 =	sadd.s32 $0x9C0, s18;
	[sflag:s28] =	ssyncadd.s32 $0xFFFFCC00  }
0x57: {  	[tilespmem:s19], [sflag:$0x3] =	stream.indirect.gather [hbm4b:s3+s15], $0x20, s20, s15, $0xb8;
	[tilespmem:$0x10400] =	vst v63  }
0x58: {  	_ =	swait.ge [sflag:s29], $0x3400  }
0x59: {  	[sflag:s29] =	ssyncset.done $0x0  }
.Ltmp0:
0x5a: {  	s0 =	sadd.s32 s0, s10;
	[sflag:s29] =	ssyncadd.s32 $0xFFFFCC00;
	(pc) =	sbr.rel @p0 .LBB2_2-.Ltmp0, $4  }
0x5b: {  	[hbm4b:s0+s2] =	stream.linear.scatter [tilespmem:s21], [sflag:$0x8], $0x3400, $0x38;
	[tilespmem:$0x10400] =	vst v63  }
0x5c: {  	_ =	swait.ge [sflag:s30], $0x3400  }
0x5d: {  	[sflag:s30] =	ssyncset.done $0x0  }
0x5e: {  	s0 =	sadd.s32 $0xB60, s18;
	[sflag:s30] =	ssyncadd.s32 $0xFFFFCC00  }
0x5f: {  	[tilespmem:s21], [sflag:$0x4] =	stream.indirect.gather [hbm4b:s3+s15], $0x20, s0, s15, $0xb8;
	[tilespmem:$0x10400] =	vst v63  }
0x60: {  	_ =	swait.ge [sflag:s22], $0x3400  }
0x61: {  	[sflag:s22] =	ssyncset.done $0x0  }
0x62: {  	[sflag:s22] =	ssyncadd.s32 $0xFFFFCC00  }
0x63: {  	[hbm4b:s5+s2] =	stream.linear.scatter [tilespmem:s16], [sflag:$0x5], $0x3400, $0x38;
	[tilespmem:$0x10400] =	vst v63  }
0x64: {  	_ =	swait.ge [sflag:s23], $0x3400  }
0x65: {  	[sflag:s23] =	ssyncset.done $0x0  }
0x66: {  	[sflag:s23] =	ssyncadd.s32 $0xFFFFCC00  }
0x67: {  	_ =	swait.ge [sflag:s24], $0x3400  }
0x68: {  	[sflag:s24] =	ssyncset.done $0x0  }
0x69: {  	[sflag:s24] =	ssyncadd.s32 $0xFFFFCC00  }
0x6a: {  	[hbm4b:s6+s2] =	stream.linear.scatter [tilespmem:s17], [sflag:$0x6], $0x3400, $0x38;
	[tilespmem:$0x10400] =	vst v63  }
0x6b: {  	_ =	swait.ge [sflag:s25], $0x3400  }
0x6c: {  	[sflag:s25] =	ssyncset.done $0x0  }
0x6d: {  	[sflag:s25] =	ssyncadd.s32 $0xFFFFCC00  }
0x6e: {  	_ =	swait.ge [sflag:s26], $0x3400  }
0x6f: {  	[sflag:s26] =	ssyncset.done $0x0  }
0x70: {  	[sflag:s26] =	ssyncadd.s32 $0xFFFFCC00  }
0x71: {  	[hbm4b:s7+s2] =	stream.linear.scatter [tilespmem:s19], [sflag:$0x7], $0x3400, $0x38;
	[tilespmem:$0x10400] =	vst v63  }
0x72: {  	_ =	swait.ge [sflag:s28], $0x3400  }
0x73: {  	[sflag:s28] =	ssyncset.done $0x0  }
0x74: {  	[sflag:s28] =	ssyncadd.s32 $0xFFFFCC00  }
0x75: {  	s31 =	sadd.s32 $0x1, s31;
	_ =	swait.ge [sflag:s29], $0x3400  }
0x76: {  	p0 =	sne.s32 s31, s9;
	[sflag:s29] =	ssyncset.done $0x0  }
.Ltmp1:
0x77: {  	[sflag:s29] =	ssyncadd.s32 $0xFFFFCC00;
	(pc) =	sbr.rel @p0 .LBB2_1-.Ltmp1, $4  }
0x78: {  	[hbm4b:s8+s2] =	stream.linear.scatter [tilespmem:s21], [sflag:$0x8], $0x3400, $0x38;
	[tilespmem:$0x10400] =	vst v63  }
0x79: {  	_ =	swait.ge [sflag:s30], $0x3400  }
0x7a: {  	[sflag:s30] =	ssyncset.done $0x0  }
0x7b: {  	[sflag:s30] =	ssyncadd.s32 $0xFFFFCC00  }
0x7c: {  	_ =	sfence.sel $0x180000  }
0x7d: {  	[bflag:$0x0] =	sbarrier.arrive $0xFFFF  }
0x7e: {  	_ =	strace $0x90000047  }
0x7f: {  	s0 =	stileid.u32;
	[bflag:$0x2] =	sbarrier.arrive $0xFFFF  }
0x80: {  	p0 =	sne.s32 s0, $0x0;
	s0 =	rddreg [dreg:$0x3]  }
0x81: {  	s0 =	sadd.s32 @!p0 $0x100000, s0  }
0x82: {  	[sflag:s0] =	ssyncadd.tile.s32 @!p0 $0x1;
	_ =	shalt  }
.Lfunc_end2:
_tile_overlayer_lowered:
.L_overlay_start_2:
0x83: {  	(tag) =	ssettag $0x2  }
0x84: {  	s0 =	rddreg [dreg:$0x0];
	s2 =	stileid.u32  }
0x85: {  	s1 =	rddreg [dreg:$0x1];
	p0 =	sne.s32 s2, $0x0  }
0x86: {  	s3 =	rddreg [dreg:$0x2];
	[bflag:$0x3] =	sbarrier.arrive $0xFFFF;
	s2 =	simm.s32 @!p0 $0x1C09  }
0x87: {  	[timem:s3], [sflag:s2] =	dma.local @!p0 [hbm:s0], s1  }
0x88: {  	s0 =	simm.s32 @!p0 $0x9  }
0x89: {  	_ =	swait.ge @!p0 [sflag:s0], s1  }
0x8a: {  	s1 =	ssub.s32 @!p0 $0x0, s1;
	[sflag:s0] =	ssyncset.done @!p0 $0x0  }
0x8b: {  	[sflag:s0] =	ssyncadd.s32 @!p0 s1  }
0x8c: {  	[bflag:$0x3] =	sbarrier.arrive $0xFFFF  }
0x8d: {  	_ =	shalt  }

// kernel: sparse-core-data-format-call.cloned.1.call-start
scs
called_computation_lowered:
.L_overlay_start_0:
0x0: {  	s2 =	sld [smem:$0x3FD9]  }
0x1: {  	s3 =	sld [smem:$0x3FFE];
	_ =	sdelay $0x1  }
0x2: {  	s1 =	srdreg.scid  }
0x3: {  	s0 =	sand.u32 $0x1, s1  }
0x4: {  	s18 =	sshll.u32 s0, $0xA;
	s2 =	sadd.s32 s3, s2  }
0x5: {  	s2 =	sadd.s32 s2, s18  }
0x6: {  	[smem:$0x3FC6] =	sst s2  }
0x7: {  	_ = 	snop  }
0x8: {  	s2 =	sld [smem:$0x3FD0];
	(tm) =	ssettm $0x1  }
0x9: {  	s19 =	sld [smem:$0x3FFB];
	_ =	sdelay $0x3  }
0xa: {  	_ =	strace s19  }
0xb: {  	s3 =	sld [smem:$0x3FFC];
	_ =	sdelay $0x3  }
0xc: {  	_ =	strace s3  }
0xd: {  	s3 =	sld [smem:$0x3FFD];
	_ =	sdelay $0x3  }
0xe: {  	_ =	strace s3  }
0xf: {  	_ =	strace $0x8FFFFFFF  }
0x10: {  	s20 =	sld [smem:$0x3FDB];
	_ =	sdelay $0x1  }
0x11: {  	s4 =	simm.s32 $_scs_section_size  }
0x12: {  	s5 =	simm.s32 $_size__tile_overlayer_lowered;
	s6 =	simm.s32 $_tile_overlayer_lowered  }
0x13: {  	s23 =	simm.s32 $0x1BFF;
	s22 =	sshll.u32 s6, $0x1;
	s3 =	sadd.s32 s4, s20  }
0x14: {  	s7 =	simm.s32 $0x0;
	s21 =	sshll.u32 s5, $0x1;
	s5 =	sadd.s32 s22, s3  }
0x15: {  	[timem:s7], [sflag:s23] =	dma.local [hbm:s5], s21  }
0x16: {  	_ =	swait.ge [sflag:s23], s21  }
0x17: {  	s4 =	ssub.s32 $0x0, s21;
	[sflag:s23] =	ssyncset.done $0x0  }
0x18: {  	[sflag:s23] =	ssyncadd.s32 s4;
	_ =	sdelay $0x1  }
0x19: {  	s24 =	simm.s32 $0x1B8B  }
0x1a: {  	_ =	swait.ge [sflag:s24], $0x1  }
0x1b: {  	[sflag:s24] =	ssyncset.done $0x0  }
0x1c: {  	s26 =	simm.s32 $0x1B8E;
	s25 =	sld [smem:$0x3FFE];
	[sflag:s24] =	ssyncadd.s32 $0xFFFFFFFF  }
0x1d: {  	s27 =	simm.s32 $execute0_lowered;
	[smem:$0x3FD2] =	sst s26  }
0x1e: {  	s5 =	sshll.u32 s27, $0x1;
	_ =	strace $0x80000049;
	[dreg:$0x1] =	wrdreg $0xFFFFFFFF  }
0x1f: {  	s28 =	simm.s32 $_size_execute0_lowered;
	s3 =	sadd.s32 s3, s5;
	[dreg:$0x0] =	wrdreg $0x0  }
0x20: {  	s5 =	sshll.u32 s28, $0x1;
	[dreg:$0x2] =	wrdreg s3  }
0x21: {  	[dreg:$0x3] =	wrdreg s5  }
0x22: {  	[dreg:$0x4] =	wrdreg $0xC0  }
0x23: {  	_ =	task [dreg:s7], $0x5FFFF  }
0x24: {  	[dreg:$0x1] =	wrdreg $0xFFFFFFFF  }
0x25: {  	[dreg:$0x0] =	wrdreg $0x60  }
0x26: {  	[dreg:$0x2] =	wrdreg s25  }
0x27: {  	[dreg:$0x3] =	wrdreg s2  }
0x28: {  	[dreg:$0x4] =	wrdreg $0x9  }
0x29: {  	_ =	task.clear_ibuf [dreg:s7], $0x5FFFF;
	_ =	strace $0x90000049  }
0x2a: {  	s29 =	simm.s32 $0x9;
	_ =	strace $0x8000004B  }
0x2b: {  	_ =	swait.ge [sflag:s29], $0x1  }
0x2c: {  	[sflag:s29] =	ssyncadd.s32 $0xFFFFFFFF  }
0x2d: {  	_ =	strace $0x9000004B  }
0x2e: {  	_ =	sfence  }
0x2f: {  	s30 =	sld [smem:$0x0];
	_ =	sdelay $0x2  }
0x30: {  	s31 =	sshll.u32 s1, $0xD;
	s1 =	sshrl.u32 s1, $0x2  }
0x31: {  	s3 =	sand.u32 $0x4000, s31;
	s1 =	sadd.s32 s1, s30  }
0x32: {  	s0 =	sor.u32 s3, s0;
	s1 =	sshll.u32 s1, $0x11  }
0x33: {  	s0 =	sor.u32 s1, s0  }
0x34: {  	s0 =	sadd.s32 $0x8F2B, s0  }
0x35: {  	[sflag:s0] =	ssyncadd.remote.s32 $0x1  }
0x36: {  	_ =	sfence.sel $0xFFFF  }
0x37: {  	[dreg:$0x0] =	wrdreg $0xFFFFFFFF;
	(pc) =	sbr.abs _section_cstart, $3  }
0x38: {  	[dreg:$0x1] =	wrdreg $0xFFFFFFFF  }
0x39: {  	_ =	task.clear_ibuf [dreg:s7], $0x2FFFF;
	_ =	strace $0x9FFFFFFF  }
0x3a: {  	(tm) =	ssettm $0x7FFFFFFF  }
0x3b: {  	_ =	shalt  }
tec
execute0_lowered:
.L_overlay_start_1:
0x0: {  	(tag) =	ssettag $0x1  }
0x1: {  	s0 =	srdreg.scid  }
0x2: {  	s1 =	sshll.u32 s0, $0x4  }
0x3: {  	s4 =	rddreg [dreg:$0x0];
	s0 =	stileid.u32;
	s1 =	sand.u32 $0x10, s1  }
0x4: {  	s2 =	rddreg [dreg:$0x1];
	s7 =	simm.s32 $0x1;
	s1 =	sor.u32 s0, s1  }
0x5: {  	s8 =	simm.s32 $0x2;
	s11 =	simm.s32 $0x0;
	s3 =	sshll.u32 s1, $0x7  }
0x6: {  	s10 =	simm.s32 $0x0;
	s4 =	sadd.s32 $0x800, s4;
	s6 =	ssub.s32 $0x68000, s3  }
.Ltmp0:
0x7: {  	s1 =	rddreg [dreg:$0x2];
	s5 =	sand.u32 $0xF80, s6;
	(pc) =	sbr.rel .LBB1_1-.Ltmp0, $4  }
0x8: {  	_ =	strace $0x8000004A;
	s9 =	smov.u32 s3;
	p0 =	sne.s32 s5, $0x0  }
0x9: {  	s6 =	sshrl.u32 s6, $0xC;
	s5 =	simm.s32 $0x1;
	s7 =	simm.s32 @!p0 $0x0  }
0xa: {  	[sflag:s5] =	ssyncpa.u1 $0x0;
	p0 =	por $0x0, $0x0;
	s6 =	sadd.s32 s7, s6  }
0xb: {  	[sflag:s8] =	ssyncpa.u1 $0x0;
	s8 =	simm.s32 $0x340000;
	s7 =	sadd.s32 $0x1, s6  }
.LBB1_4:
0xc: {  	s14 =	sshll.u32 s11, $0x3  }
0xd: {  	s30 =	sand.u32 $0x7F, s11;
	s15 =	sand.u32 $0xFFFFFC00, s14  }
0xe: {  	s11 =	sor.u32 s30, s15  }
0xf: {  	s15 =	smulhi.u32 $0x4EC4EC4F, s11  }
0x10: {  	s14 =	smulhi.u32 $0x4EC4EC4F, s14  }
0x11: {  	s15 =	sshrl.u32 s15, $0x11  }
0x12: {  	s14 =	sshrl.u32 s14, $0x11;
	s15 =	smul.u32 $0x68000, s15  }
0x13: {  	s14 =	sand.u32 $0x1F, s14  }
0x14: {  	s14 =	smul.u32 $0xD000, s14;
	s11 =	ssub.s32 s11, s15  }
0x15: {  	s15 =	sand.u32 $0x7, s11  }
0x16: {  	s14 =	sadd.s32 s2, s14;
	s11 =	sshrl.u32 s11, $0x3;
	s15 =	sshll.u32 s15, $0x12  }
0x17: {  	[tilespmem:s13+$0x0 ss:$0x81] =	vst.msk $0xffff, v0;
	s11 =	sadd.s32 s11, s14;
	s31 =	sor.u32 $0x400, s15  }
0x18: {  	[hbm4b:s11+s31] =	stream.strided.scatter [tilespmem:s12], [sflag:$0x2], $0x1000, s8, s31, $0x20;
	[tilespmem:$0x4040] =	vst v63  }
.LBB1_5:
0x19: {  	s13 =	sadd.s32 $0x1000, s9  }
0x1a: {  	p2 =	sgt.s32 s13, $0x67FFF  }
0x1b: {  	s13 =	smov.u32 @p2 s3;
	p2 =	sne.s32 s10, s7  }
.Ltmp1:
0x1c: {  	p1 =	slt.u32 s10, $0x2;
	(pc) =	sbr.rel @!p2 .LBB1_6-.Ltmp1, $4  }
0x1d: {  	s12 =	simm.s32 @!p1 $0x2  }
0x1e: {  	s14 =	sadd.s32 $0x1, s10;
	_ =	swait.ge @!p1 [sflag:s12], $0x1000  }
0x1f: {  	s11 =	smov.u32 s9;
	p0 =	por !p0, !p0;
	[sflag:s12] =	ssyncset.done @!p1 $0x0  }
0x20: {  	s10 =	smov.u32 s14;
	s9 =	smov.u32 s13;
	[sflag:s12] =	ssyncadd.s32 @!p1 $0xFFFFF000  }
.LBB1_1:
0x21: {  	p1 =	sge.u32 s10, s6  }
0x22: {  	s12 =	sand.u32 @!p1 $0x1FFFFFF, s9  }
0x23: {  	s13 =	smulhi.u32 @!p1 $0x2762763, s12;
	_ =	sdelay $0x1  }
0x24: {  	s13 =	sshrl.u32 @!p1 s13, $0xC  }
0x25: {  	s13 =	smul.u32 @!p1 $0x68000, s13;
	_ =	sdelay $0x1  }
0x26: {  	s31 =	sadd.s32 $0xFFFFFFFF, s10;
	s14 =	sxor.u32 @!p1 $0xFFFFFFFF, s10;
	s12 =	ssub.s32 @!p1 s12, s13  }
0x27: {  	s15 =	simm.s32 @!p1 $0x80;
	s14 =	sshll.u32 @!p1 s14, $0xC;
	s12 =	sshll.u32 @!p1 s12, $0x4  }
0x28: {  	s13 =	sand.u32 @!p1 $0x1000, s14;
	s14 =	simm.s32 @!p1 $0x20;
	s12 =	sadd.s32 @!p1 s4, s12  }
0x29: {  	[tilespmem:s13], [sflag:$0x1] =	stream.strided.gather @!p1 [hbm4b:s12+s14], $0x1000, s15, s14, $0x38;
	[tilespmem:$0x4040] =	vst v63  }
0x2a: {  	p1 =	sge.u32 s31, s6  }
.Ltmp2:
0x2b: {  	_ = 	snop;
	(pc) =	sbr.rel @p1 .LBB1_5-.Ltmp2, $1  }
0x2c: {  	_ =	sdelay $0x3  }
0x2d: {  	s12 =	simm.s32 $0x1  }
0x2e: {  	_ =	swait.ge [sflag:s5], $0x1000;
	s12 =	simm.s32 @!p0 $0x0  }
0x2f: {  	[sflag:s5] =	ssyncset.done $0x0;
	s13 =	sshll.u32 s12, $0xC  }
0x30: {  	[sflag:s5] =	ssyncadd.s32 $0xFFFFF000;
	s16 =	sor.u32 $0x10, s13  }
0x31: {  	s12 =	smul.u32 $0x4080, s12;
	v1 =	vld [tilespmem:s16+$0x0]  }
0x32: {  	s30 =	sand.u32 $0x1, s10;
	v0 =	vld [tilespmem:s16+$0xFFFFFFF0]  }
0x33: {  	s13 =	smul.u32 $0x4080, s30;
	s12 =	sshrl.u32 s12, $0x2  }
0x34: {  	s14 =	sor.u32 $0x2000, s12  }
0x35: {  	s31 =	sshrl.u32 s13, $0x2;
	s13 =	sadd.s32 $0x0, s14  }
0x36: {  	s15 =	simm.s32 $0x4;
	s16 =	sadd.s32 $0x20, s16;
	s12 =	sor.u32 $0x2000, s31;
	[tilespmem:s13+$0x810 ss:$0x81] =	vst.msk $0xffff, v1  }
.LBB1_3:
0x37: {  	v1 =	vld [tilespmem:s16+$0x0];
	p1 =	sne.s32 s15, $0x1FC;
	[tilespmem:s13+$0x0 ss:$0x81] =	vst.msk $0xffff, v0;
	s13 =	smov.u32 s15;
	s15 =	sadd.s32 $0x4, s15  }
.Ltmp3:
0x38: {  	v0 =	vld [tilespmem:s16+$0xFFFFFFF0];
	(pc) =	sbr.rel @p1 .LBB1_3-.Ltmp3, $4  }
0x39: {  	_ = 	snop  }
0x3a: {  	s13 =	sshra.s32 s13, $0x2  }
0x3b: {  	s13 =	sadd.s32 s13, s14  }
0x3c: {  	s16 =	sadd.s32 $0x20, s16;
	[tilespmem:s13+$0x810 ss:$0x81] =	vst.msk $0xffff, v1  }
.Ltmp4:
0x3d: {  	_ = 	snop;
	(pc) =	sbr.rel .LBB1_4-.Ltmp4, $1  }
0x3e: {  	_ =	sdelay $0x3  }
.LBB1_6:
0x3f: {  	_ =	sfence.sel $0x180000  }
0x40: {  	s2 =	simm.s32 $0x1;
	[bflag:$0x0] =	sbarrier.arrive $0xFFFF  }
0x41: {  	s31 =	simm.s32 $0x2;
	[sflag:s2] =	ssyncpa.u1 $0x1  }
0x42: {  	[sflag:s31] =	ssyncpa.u1 $0x1  }
0x43: {  	p0 =	sne.s32 s0, $0x0;
	_ =	strace $0x9000004A  }
0x44: {  	s0 =	sadd.s32 @!p0 $0x100000, s1;
	[bflag:$0x2] =	sbarrier.arrive $0xFFFF  }
0x45: {  	[sflag:s0] =	ssyncadd.tile.s32 @!p0 $0x1;
	_ =	shalt  }
.Lfunc_end1:
_tile_overlayer_lowered:
.L_overlay_start_2:
0x46: {  	(tag) =	ssettag $0x2  }
0x47: {  	s0 =	rddreg [dreg:$0x0];
	s2 =	stileid.u32  }
0x48: {  	s1 =	rddreg [dreg:$0x1];
	p0 =	sne.s32 s2, $0x0  }
0x49: {  	s3 =	rddreg [dreg:$0x2];
	[bflag:$0x3] =	sbarrier.arrive $0xFFFF;
	s2 =	simm.s32 @!p0 $0x1C01  }
0x4a: {  	[timem:s3], [sflag:s2] =	dma.local @!p0 [hbm:s0], s1  }
0x4b: {  	s0 =	simm.s32 @!p0 $0x1  }
0x4c: {  	_ =	swait.ge @!p0 [sflag:s0], s1  }
0x4d: {  	s1 =	ssub.s32 @!p0 $0x0, s1;
	[sflag:s0] =	ssyncset.done @!p0 $0x0  }
0x4e: {  	[sflag:s0] =	ssyncadd.s32 @!p0 s1  }
0x4f: {  	[bflag:$0x3] =	sbarrier.arrive $0xFFFF  }
0x50: {  	_ =	shalt  }

</sc_bundles>
